<compile_context>
chip_gen: v7x
topology: tpu7x:2x2x1
jax: 0.10.2.dev20260603
libtpu: 0.0.44.dev20260713+nightly
codegen_flags: <defaults>
</compile_context>

<pallas_src>
import functools

import jax
import jax.numpy as jnp
from jax import lax
from jax.experimental import pallas as pl
from jax.experimental.pallas import tpu as pltpu
from jax.experimental.pallas import tpu_sc as plsc

N_ATOMS = 2048
NBINS = 128
R_START = 0.0
R_END = 7.5
CUTOFF = R_END + 0.5
CUTOFF_SQ = CUTOFF * CUTOFF
WIDTH = R_END / (NBINS - 1)
COEFF = -0.5 / (WIDTH * WIDTH)
BSTEP = R_END / NBINS

F = 8192
HB = F + 128
DELTA = CUTOFF / F
INV_DELTA = F / CUTOFF

ROWS_BLK = 128
N_BLOCKS = N_ATOMS // ROWS_BLK

NC, NS, L = 2, 16, 16
NW = NC * NS


def _pos_body(cd_ref, rows_ref, cols_ref, out_ref):
    dsq = jnp.zeros((ROWS_BLK, COLS_BLK), jnp.float32)
    for c in range(3):
        b = cd_ref[c]
        xi = rows_ref[:, c:c + 1]
        xj = cols_ref[c:c + 1, :]
        d = xj - xi
        d = d - b * jnp.round(d * (1.0 / b))
        dsq = dsq + d * d
    pos = jnp.minimum(jnp.sqrt(dsq) * INV_DELTA, float(F))
    out_ref[...] = jnp.where(dsq > 0.0, pos, float(F))


COLS_BLK = N_ATOMS

_pos_call = pl.pallas_call(
    _pos_body,
    grid=(N_BLOCKS,),
    in_specs=[
        pl.BlockSpec(memory_space=pltpu.SMEM),
        pl.BlockSpec((ROWS_BLK, 3), lambda i: (i, 0)),
        pl.BlockSpec((3, COLS_BLK), lambda i: (0, 0)),
    ],
    out_specs=pl.BlockSpec((ROWS_BLK, COLS_BLK), lambda i: (i, 0)),
    out_shape=jax.ShapeDtypeStruct((N_ATOMS, N_ATOMS), jnp.float32),
)


@functools.cache
def _sc_hist_call():
    return pl.kernel(
        _sc_hist_body,
        out_type=jax.ShapeDtypeStruct((NW, HB), jnp.float32),
        mesh=plsc.VectorSubcoreMesh(core_axis_name="c", subcore_axis_name="s"),
        scratch_types=[
            pltpu.VMEM((N_ATOMS,), jnp.float32),
            pltpu.VMEM((N_ATOMS,), jnp.float32),
            pltpu.VMEM((HB,), jnp.float32),
            pltpu.SemaphoreType.DMA,
            pltpu.SemaphoreType.DMA,
        ],
        compiler_params=pltpu.CompilerParams(needs_layout_passes=False),
    )


ROWS_PER_W = N_ATOMS // NW


def _sc_hist_body(pos_hbm, out_hbm, buf0, buf1, hist, sem0, sem1):
    wid = lax.axis_index("s") * NC + lax.axis_index("c")
    iota16 = lax.broadcasted_iota(jnp.int32, (L,), 0)
    ones = jnp.ones((L,), jnp.float32)

    def zero_body(i, _):
        hist[pl.ds(i * L, L)] = jnp.zeros((L,), jnp.float32)
        return 0

    lax.fori_loop(0, HB // L, zero_body, 0)

    def process(buf, i):
        k0 = (i + 1) // L

        def vec1(vi):
            v = buf[pl.ds(vi * L, L)]
            jv = vi * L + iota16
            idx = (v + 0.5).astype(jnp.int32)
            plsc.addupdate_scatter(hist, [idx], ones, mask=jv > i)

        plsc.parallel_loop(k0, N_ATOMS // L, unroll=4)(vec1)

    pltpu.make_async_copy(pos_hbm.at[wid], buf0, sem0).start()

    def pair_body(p, _):
        i0 = wid + NW * (2 * p)
        i1 = i0 + NW
        pltpu.make_async_copy(pos_hbm.at[i1], buf1, sem1).start()
        pltpu.make_async_copy(pos_hbm.at[i0], buf0, sem0).wait()
        process(buf0, i0)
        nxt = jnp.minimum(i0 + 2 * NW, wid + NW * (ROWS_PER_W - 1))
        pltpu.make_async_copy(pos_hbm.at[nxt], buf0, sem0).start()
        pltpu.make_async_copy(pos_hbm.at[i1], buf1, sem1).wait()
        process(buf1, i1)
        return 0

    lax.fori_loop(0, ROWS_PER_W // 2, pair_body, 0)
    pltpu.make_async_copy(
        pos_hbm.at[wid + NW * (ROWS_PER_W - 1)], buf0, sem0).wait()
    pltpu.sync_copy(hist, out_hbm.at[wid])


def _finish_body(h_ref, count_ref, rdf_ref):
    hsum = jnp.sum(h_ref[...], axis=0, keepdims=True)
    hf = hsum[:, :F]
    rf = lax.broadcasted_iota(jnp.int32, (F, NBINS), 0).astype(
        jnp.float32) * DELTA
    ob = lax.broadcasted_iota(jnp.int32, (F, NBINS), 1).astype(
        jnp.float32) * WIDTH
    diff = rf - ob
    g = jnp.exp(COEFF * diff * diff)
    count = lax.dot_general(hf, g, (((1,), (0,)), ((), ())),
                            preferred_element_type=jnp.float32)
    norm = jnp.sum(count)
    countn = count / norm
    e = lax.broadcasted_iota(jnp.int32, (1, NBINS), 1).astype(jnp.float32)
    lo = e * BSTEP
    hi = (e + 1.0) * BSTEP
    rdf_ref[...] = countn * (R_END ** 3) / (hi * hi * hi - lo * lo * lo)
    count_ref[...] = countn


_finish_call = pl.pallas_call(
    _finish_body,
    out_shape=(
        jax.ShapeDtypeStruct((1, NBINS), jnp.float32),
        jax.ShapeDtypeStruct((1, NBINS), jnp.float32),
    ),
)


def kernel(xyz, cell):
    x2 = xyz.reshape(N_ATOMS, 3).astype(jnp.float32)
    xt = x2.T
    cd = jnp.diag(cell).astype(jnp.float32)
    pos = _pos_call(cd, x2, xt)
    hists = _sc_hist_call()(pos)
    count, rdf = _finish_call(hists)
    bins = jnp.linspace(R_START, R_END, NBINS + 1).astype(xyz.dtype)
    return (count.reshape(NBINS), bins, rdf.reshape(NBINS))

# --- scband reference (transcript-rebuilt; emitter-appended) ---
"""Pipeline reference for scband-rdf-56521769615647 (READ-ONLY COPY).

The authoritative reference and input builder live on the scoring server;
editing this copy changes nothing except your own understanding.
"""

import jax
import jax.numpy as jnp
import numpy as np

N_FRAMES = 1
N_ATOMS = 2048
NBINS = 128
R_START = 0.0
R_END = 7.5
CUTOFF_BOUNDARY = R_END + 0.5
BOX = 24.0
CHUNK = 65536


def setup_inputs(seed: int = 0) -> dict:
    key = jax.random.key(seed)
    xyz = jax.random.uniform(key, (N_FRAMES, N_ATOMS, 3), dtype=jnp.float32, minval=0.0, maxval=BOX)
    cell = jnp.eye(3, dtype=jnp.float32) * BOX  # buffer built in __init__ from system.get_cell()
    return {"xyz": xyz, "cell": cell}


def _smear_count(pair_dis, mask_f, g_offsets, coeff):
    # GaussianSmearing applied to every pair distance, masked to pairs within
    # cutoff_boundary (equivalent to torch masked_select + smear + sum(0)).
    # Chunked scan keeps the P x NBINS gaussian matrix from materializing fully.
    P = pair_dis.shape[0]
    n_chunks = P // CHUNK
    d_c = pair_dis.reshape(n_chunks, CHUNK)
    m_c = mask_f.reshape(n_chunks, CHUNK)

    def body(carry, inp):
        d, m = inp
        diff = d[:, None] - g_offsets[None, :]
        g = jnp.exp(coeff * diff ** 2)
        return carry + (g * m[:, None]).sum(0), None

    body = jax.checkpoint(body)
    count, _ = jax.lax.scan(body, jnp.zeros((NBINS,), dtype=pair_dis.dtype), (d_c, m_c))
    return count


def reference(xyz, cell):
    bins = jnp.linspace(R_START, R_END, NBINS + 1).astype(xyz.dtype)
    cell_diag = jnp.diag(cell)

    # generate_nbr_list: all-pairs displacement with minimum-image PBC
    dis_mat = xyz[..., None, :, :] - xyz[..., :, None, :]
    pbc_off = (-(dis_mat >= 0.5 * cell_diag).astype(xyz.dtype)
               + (dis_mat < -0.5 * cell_diag).astype(xyz.dtype))
    dis_mat = dis_mat + pbc_off * cell_diag
    dis_sq = (dis_mat ** 2).sum(-1)
    mask = (dis_sq < CUTOFF_BOUNDARY ** 2) & (dis_sq > 0.0)
    safe_sq = jnp.where(mask, dis_sq, 1.0)
    pair_dis = jnp.sqrt(safe_sq).reshape(-1)
    mask_f = mask.reshape(-1).astype(xyz.dtype)

    # GaussianSmearing(start, stop=bins[-1], n_gaussians=nbins, width=None)
    g_offsets = jnp.linspace(R_START, R_END, NBINS).astype(xyz.dtype)
    width = g_offsets[1] - g_offsets[0]
    coeff = -0.5 / (width ** 2)

    count = _smear_count(pair_dis, mask_f, g_offsets, coeff)
    norm = count.sum()
    count = count / norm

    V = 4.0 / 3.0 * np.pi * R_END ** 3
    vol_bins = 4.0 * np.pi / 3.0 * (bins[1:] ** 3 - bins[:-1] ** 3)
    rdf_out = count / (vol_bins / V)
    return (count, bins, rdf_out)

if __name__ == "__main__":
    import jax
    _d = setup_inputs()
    print(jax.jit(kernel)(*tuple(_d.values())))

</pallas_src>

<mosaic_0001>
#map = affine_map<(d0, d1) -> (0, 0)>
module attributes {stable_mosaic.version = 14 : i64} {
  func.func @_sc_hist_body(%arg0: i32, %arg1: i32, %arg2: memref<2048x2048xf32, #tpu.memory_space<hbm>>, %arg3: memref<32x8320xf32, #tpu.memory_space<hbm>>, %arg4: memref<2048xf32, #tpu.memory_space<vmem>>, %arg5: memref<2048xf32, #tpu.memory_space<vmem>>, %arg6: memref<8320xf32, #tpu.memory_space<vmem>>, %arg7: memref<!tpu.dma_semaphore, #tpu.memory_space<semaphore_mem>>, %arg8: memref<!tpu.dma_semaphore, #tpu.memory_space<semaphore_mem>>) attributes {dimension_semantics = [#tpu.dimension_semantics<core_parallel>, #tpu.dimension_semantics<subcore_parallel>], iteration_bounds = array<i64: 2, 16>, scalar_prefetch = 0 : i64, scratch_operands = 5 : i64, tpu.core_type = #tpu.core_type<sc_vector_subcore>, window_params = [{transform_indices = #map}, {transform_indices = #map}]} {
    %mul3A = arith.constant 2 : i32
    %mul3A_0 = arith.muli %arg1, %mul3A : i32
    %add3A = arith.addi %mul3A_0, %arg0 : i32
    %iota3A = tpu.iota {dimensions = array<i32: 0>} : vector<16xi32>
    %broadcast_in_dim3A = arith.constant 1.000000e+00 : f32
    %broadcast_in_dim3A_1 = vector.broadcast %broadcast_in_dim3A : f32 to vector<16xf32>
    %scan3A = arith.constant 0 : i32
    %scan3A_2 = arith.constant 0 : i32
    %scan3A_3 = arith.constant 520 : i32
    %scan3A_4 = arith.addi %scan3A_2, %scan3A_3 : i32
    %scan3A_5 = arith.constant 1 : i32
    %scan3A_6 = scf.for %scan3A_27 = %scan3A_2 to %scan3A_4 step %scan3A_5 iter_args(%scan3A_28 = %scan3A) -> (i32)  : i32 {
      %broadcast_in_dim3A_29 = arith.constant 0.000000e+00 : f32
      %broadcast_in_dim3A_30 = vector.broadcast %broadcast_in_dim3A_29 : f32 to vector<16xf32>
      %mul3A_31 = arith.constant 16 : i32
      %mul3A_32 = arith.muli %scan3A_27, %mul3A_31 : i32
      %swap3A = arith.index_cast %mul3A_32 : i32 to index
      %swap3A_33 = tpu.vector_load %arg6[%swap3A] {strides = array<i32>} : memref<8320xf32, #tpu.memory_space<vmem>>, vector<16xf32>,
      tpu.vector_store %arg6[%swap3A], %broadcast_in_dim3A_30 {strides = array<i32>} : memref<8320xf32, #tpu.memory_space<vmem>>, vector<16xf32>,
      %scan3A_34 = arith.constant 0 : i32
      scf.yield %scan3A_34 : i32
    }
    %scan3A_7 = arith.constant 520 : i32
    %dma_start3A = arith.constant 0 : i32
    %dma_start3A_8 = tpu.memref_slice %arg2[%add3A, %dma_start3A] : memref<2048x2048xf32, #tpu.memory_space<hbm>> -> memref<1x2048xf32, #tpu.memory_space<hbm>>
    %dma_start3A_9 = tpu.memref_squeeze %dma_start3A_8 : memref<1x2048xf32, #tpu.memory_space<hbm>> -> memref<2048xf32, #tpu.memory_space<hbm>>
    %dma_start3A_10 = arith.constant 0 : i32
    %dma_start3A_11 = tpu.memref_slice %arg2[%add3A, %dma_start3A_10] : memref<2048x2048xf32, #tpu.memory_space<hbm>> -> memref<1x2048xf32, #tpu.memory_space<hbm>>
    %dma_start3A_12 = tpu.memref_squeeze %dma_start3A_11 : memref<1x2048xf32, #tpu.memory_space<hbm>> -> memref<2048xf32, #tpu.memory_space<hbm>>
    tpu.enqueue_dma source(%dma_start3A_12 : memref<2048xf32, #tpu.memory_space<hbm>>) target(%arg4 : memref<2048xf32, #tpu.memory_space<vmem>>) target_semaphore(%arg7 : memref<!tpu.dma_semaphore, #tpu.memory_space<semaphore_mem>>)
    %scan3A_13 = arith.constant 0 : i32
    %scan3A_14 = arith.constant 0 : i32
    %scan3A_15 = arith.constant 32 : i32
    %scan3A_16 = arith.addi %scan3A_14, %scan3A_15 : i32
    %scan3A_17 = arith.constant 1 : i32
    %scan3A_18 = scf.for %scan3A_27 = %scan3A_14 to %scan3A_16 step %scan3A_17 iter_args(%scan3A_28 = %scan3A_13) -> (i32)  : i32 {
      %mul3A_29 = arith.constant 2 : i32
      %mul3A_30 = arith.muli %mul3A_29, %scan3A_27 : i32
      %mul3A_31 = arith.constant 32 : i32
      %mul3A_32 = arith.muli %mul3A_31, %mul3A_30 : i32
      %add3A_33 = arith.addi %add3A, %mul3A_32 : i32
      %add3A_34 = arith.constant 32 : i32
      %add3A_35 = arith.addi %add3A_33, %add3A_34 : i32
      %dma_start3A_36 = arith.constant 0 : i32
      %dma_start3A_37 = tpu.memref_slice %arg2[%add3A_35, %dma_start3A_36] : memref<2048x2048xf32, #tpu.memory_space<hbm>> -> memref<1x2048xf32, #tpu.memory_space<hbm>>
      %dma_start3A_38 = tpu.memref_squeeze %dma_start3A_37 : memref<1x2048xf32, #tpu.memory_space<hbm>> -> memref<2048xf32, #tpu.memory_space<hbm>>
      %dma_start3A_39 = arith.constant 0 : i32
      %dma_start3A_40 = tpu.memref_slice %arg2[%add3A_35, %dma_start3A_39] : memref<2048x2048xf32, #tpu.memory_space<hbm>> -> memref<1x2048xf32, #tpu.memory_space<hbm>>
      %dma_start3A_41 = tpu.memref_squeeze %dma_start3A_40 : memref<1x2048xf32, #tpu.memory_space<hbm>> -> memref<2048xf32, #tpu.memory_space<hbm>>
      tpu.enqueue_dma source(%dma_start3A_41 : memref<2048xf32, #tpu.memory_space<hbm>>) target(%arg5 : memref<2048xf32, #tpu.memory_space<vmem>>) target_semaphore(%arg8 : memref<!tpu.dma_semaphore, #tpu.memory_space<semaphore_mem>>)
      %dma_wait3A_42 = arith.constant 0 : i32
      %dma_wait3A_43 = tpu.memref_slice %arg2[%add3A_33, %dma_wait3A_42] : memref<2048x2048xf32, #tpu.memory_space<hbm>> -> memref<1x2048xf32, #tpu.memory_space<hbm>>
      %dma_wait3A_44 = tpu.memref_squeeze %dma_wait3A_43 : memref<1x2048xf32, #tpu.memory_space<hbm>> -> memref<2048xf32, #tpu.memory_space<hbm>>
      %dma_wait3A_45 = arith.constant 0 : i32
      %dma_wait3A_46 = tpu.memref_slice %arg2[%add3A_33, %dma_wait3A_45] : memref<2048x2048xf32, #tpu.memory_space<hbm>> -> memref<1x2048xf32, #tpu.memory_space<hbm>>
      %dma_wait3A_47 = tpu.memref_squeeze %dma_wait3A_46 : memref<1x2048xf32, #tpu.memory_space<hbm>> -> memref<2048xf32, #tpu.memory_space<hbm>>
      tpu.wait_dma2 semaphore(%arg7 : memref<!tpu.dma_semaphore, #tpu.memory_space<semaphore_mem>>) src(%dma_wait3A_47 : memref<2048xf32, #tpu.memory_space<hbm>>) dst(%arg4 : memref<2048xf32, #tpu.memory_space<vmem>>)
      %add3A_48 = arith.constant 1 : i32
      %add3A_49 = arith.addi %add3A_33, %add3A_48 : i32
      %jit3A = arith.constant 16 : i32
      %div3A = arith.divsi %add3A_49, %jit3A : i32
      %sign3A = arith.constant 0 : i32
      %sign3A_50 = arith.cmpi sgt, %add3A_49, %sign3A : i32
      %sign3A_51 = arith.extui %sign3A_50 : i1 to i32
      %sign3A_52 = arith.constant 0 : i32
      %sign3A_53 = arith.cmpi slt, %add3A_49, %sign3A_52 : i32
      %sign3A_54 = arith.extui %sign3A_53 : i1 to i32
      %sign3A_55 = arith.subi %sign3A_51, %sign3A_54 : i32
      %sign3A_56 = arith.constant 0 : i32
      %sign3A_57 = arith.cmpi sgt, %jit3A, %sign3A_56 : i32
      %sign3A_58 = arith.extui %sign3A_57 : i1 to i32
      %sign3A_59 = arith.constant 0 : i32
      %sign3A_60 = arith.cmpi slt, %jit3A, %sign3A_59 : i32
      %sign3A_61 = arith.extui %sign3A_60 : i1 to i32
      %sign3A_62 = arith.subi %sign3A_58, %sign3A_61 : i32
      %ne3A = arith.cmpi ne, %sign3A_55, %sign3A_62 : i32
      %rem3A = arith.remsi %add3A_49, %jit3A : i32
      %ne3A_63 = arith.constant 0 : i32
      %ne3A_64 = arith.cmpi ne, %rem3A, %ne3A_63 : i32
      %and3A = arith.andi %ne3A, %ne3A_64 : i1
      %sub3A = arith.constant 1 : i32
      %sub3A_65 = arith.subi %div3A, %sub3A : i32
      %select_n3A = arith.select %and3A, %sub3A_65, %div3A : i32
      %parallel_loop3A = arith.constant 128 : i32
      %parallel_loop3A_66 = arith.constant 1 : i32
      scf.for %parallel_loop3A_112 = %select_n3A to %parallel_loop3A step %parallel_loop3A_66  : i32 {
        %parallel_loop3A_113 = arith.constant 16 : i32
        %parallel_loop3A_114 = arith.muli %parallel_loop3A_112, %parallel_loop3A_113 : i32
        %parallel_loop3A_115 = arith.index_cast %parallel_loop3A_114 : i32 to index
        %parallel_loop3A_116 = tpu.vector_load %arg4[%parallel_loop3A_115] {strides = array<i32>} : memref<2048xf32, #tpu.memory_space<vmem>>, vector<16xf32>,
        %parallel_loop3A_117 = arith.constant 16 : i32
        %parallel_loop3A_118 = arith.muli %parallel_loop3A_112, %parallel_loop3A_117 : i32
        %parallel_loop3A_119 = vector.broadcast %parallel_loop3A_118 : i32 to vector<16xi32>
        %parallel_loop3A_120 = arith.addi %parallel_loop3A_119, %iota3A : vector<16xi32>
        %parallel_loop3A_121 = arith.constant 5.000000e-01 : f32
        %parallel_loop3A_122 = vector.broadcast %parallel_loop3A_121 : f32 to vector<16xf32>
        %parallel_loop3A_123 = arith.addf %parallel_loop3A_116, %parallel_loop3A_122 : vector<16xf32>
        %parallel_loop3A_124 = arith.fptosi %parallel_loop3A_123 : vector<16xf32> to vector<16xi32>
        %parallel_loop3A_125 = vector.broadcast %add3A_33 : i32 to vector<16xi32>
        %parallel_loop3A_126 = arith.cmpi sgt, %parallel_loop3A_120, %parallel_loop3A_125 : vector<16xi32>
        tpu.vector_store_idx %arg6[%parallel_loop3A_124], %broadcast_in_dim3A_1 masked %parallel_loop3A_126 {add = true} : memref<8320xf32, #tpu.memory_space<vmem>>[vector<16xi32>], vector<16xf32>, vector<16xi1>
      } {sc.loop_unroll_factor = 4 : i64, sc.parallel_access}
      %add3A_67 = arith.constant 64 : i32
      %add3A_68 = arith.addi %add3A_33, %add3A_67 : i32
      %add3A_69 = arith.constant 2016 : i32
      %add3A_70 = arith.addi %add3A, %add3A_69 : i32
      %min3A = arith.minsi %add3A_68, %add3A_70 : i32
      %dma_start3A_71 = arith.constant 0 : i32
      %dma_start3A_72 = tpu.memref_slice %arg2[%min3A, %dma_start3A_71] : memref<2048x2048xf32, #tpu.memory_space<hbm>> -> memref<1x2048xf32, #tpu.memory_space<hbm>>
      %dma_start3A_73 = tpu.memref_squeeze %dma_start3A_72 : memref<1x2048xf32, #tpu.memory_space<hbm>> -> memref<2048xf32, #tpu.memory_space<hbm>>
      %dma_start3A_74 = arith.constant 0 : i32
      %dma_start3A_75 = tpu.memref_slice %arg2[%min3A, %dma_start3A_74] : memref<2048x2048xf32, #tpu.memory_space<hbm>> -> memref<1x2048xf32, #tpu.memory_space<hbm>>
      %dma_start3A_76 = tpu.memref_squeeze %dma_start3A_75 : memref<1x2048xf32, #tpu.memory_space<hbm>> -> memref<2048xf32, #tpu.memory_space<hbm>>
      tpu.enqueue_dma source(%dma_start3A_76 : memref<2048xf32, #tpu.memory_space<hbm>>) target(%arg4 : memref<2048xf32, #tpu.memory_space<vmem>>) target_semaphore(%arg7 : memref<!tpu.dma_semaphore, #tpu.memory_space<semaphore_mem>>)
      %dma_wait3A_77 = arith.constant 0 : i32
      %dma_wait3A_78 = tpu.memref_slice %arg2[%add3A_35, %dma_wait3A_77] : memref<2048x2048xf32, #tpu.memory_space<hbm>> -> memref<1x2048xf32, #tpu.memory_space<hbm>>
      %dma_wait3A_79 = tpu.memref_squeeze %dma_wait3A_78 : memref<1x2048xf32, #tpu.memory_space<hbm>> -> memref<2048xf32, #tpu.memory_space<hbm>>
      %dma_wait3A_80 = arith.constant 0 : i32
      %dma_wait3A_81 = tpu.memref_slice %arg2[%add3A_35, %dma_wait3A_80] : memref<2048x2048xf32, #tpu.memory_space<hbm>> -> memref<1x2048xf32, #tpu.memory_space<hbm>>
      %dma_wait3A_82 = tpu.memref_squeeze %dma_wait3A_81 : memref<1x2048xf32, #tpu.memory_space<hbm>> -> memref<2048xf32, #tpu.memory_space<hbm>>
      tpu.wait_dma2 semaphore(%arg8 : memref<!tpu.dma_semaphore, #tpu.memory_space<semaphore_mem>>) src(%dma_wait3A_82 : memref<2048xf32, #tpu.memory_space<hbm>>) dst(%arg5 : memref<2048xf32, #tpu.memory_space<vmem>>)
      %add3A_83 = arith.constant 1 : i32
      %add3A_84 = arith.addi %add3A_35, %add3A_83 : i32
      %jit3A_85 = arith.constant 16 : i32
      %div3A_86 = arith.divsi %add3A_84, %jit3A_85 : i32
      %sign3A_87 = arith.constant 0 : i32
      %sign3A_88 = arith.cmpi sgt, %add3A_84, %sign3A_87 : i32
      %sign3A_89 = arith.extui %sign3A_88 : i1 to i32
      %sign3A_90 = arith.constant 0 : i32
      %sign3A_91 = arith.cmpi slt, %add3A_84, %sign3A_90 : i32
      %sign3A_92 = arith.extui %sign3A_91 : i1 to i32
      %sign3A_93 = arith.subi %sign3A_89, %sign3A_92 : i32
      %sign3A_94 = arith.constant 0 : i32
      %sign3A_95 = arith.cmpi sgt, %jit3A_85, %sign3A_94 : i32
      %sign3A_96 = arith.extui %sign3A_95 : i1 to i32
      %sign3A_97 = arith.constant 0 : i32
      %sign3A_98 = arith.cmpi slt, %jit3A_85, %sign3A_97 : i32
      %sign3A_99 = arith.extui %sign3A_98 : i1 to i32
      %sign3A_100 = arith.subi %sign3A_96, %sign3A_99 : i32
      %ne3A_101 = arith.cmpi ne, %sign3A_93, %sign3A_100 : i32
      %rem3A_102 = arith.remsi %add3A_84, %jit3A_85 : i32
      %ne3A_103 = arith.constant 0 : i32
      %ne3A_104 = arith.cmpi ne, %rem3A_102, %ne3A_103 : i32
      %and3A_105 = arith.andi %ne3A_101, %ne3A_104 : i1
      %sub3A_106 = arith.constant 1 : i32
      %sub3A_107 = arith.subi %div3A_86, %sub3A_106 : i32
      %select_n3A_108 = arith.select %and3A_105, %sub3A_107, %div3A_86 : i32
      %parallel_loop3A_109 = arith.constant 128 : i32
      %parallel_loop3A_110 = arith.constant 1 : i32
      scf.for %parallel_loop3A_112 = %select_n3A_108 to %parallel_loop3A_109 step %parallel_loop3A_110  : i32 {
        %parallel_loop3A_113 = arith.constant 16 : i32
        %parallel_loop3A_114 = arith.muli %parallel_loop3A_112, %parallel_loop3A_113 : i32
        %parallel_loop3A_115 = arith.index_cast %parallel_loop3A_114 : i32 to index
        %parallel_loop3A_116 = tpu.vector_load %arg5[%parallel_loop3A_115] {strides = array<i32>} : memref<2048xf32, #tpu.memory_space<vmem>>, vector<16xf32>,
        %parallel_loop3A_117 = arith.constant 16 : i32
        %parallel_loop3A_118 = arith.muli %parallel_loop3A_112, %parallel_loop3A_117 : i32
        %parallel_loop3A_119 = vector.broadcast %parallel_loop3A_118 : i32 to vector<16xi32>
        %parallel_loop3A_120 = arith.addi %parallel_loop3A_119, %iota3A : vector<16xi32>
        %parallel_loop3A_121 = arith.constant 5.000000e-01 : f32
        %parallel_loop3A_122 = vector.broadcast %parallel_loop3A_121 : f32 to vector<16xf32>
        %parallel_loop3A_123 = arith.addf %parallel_loop3A_116, %parallel_loop3A_122 : vector<16xf32>
        %parallel_loop3A_124 = arith.fptosi %parallel_loop3A_123 : vector<16xf32> to vector<16xi32>
        %parallel_loop3A_125 = vector.broadcast %add3A_35 : i32 to vector<16xi32>
        %parallel_loop3A_126 = arith.cmpi sgt, %parallel_loop3A_120, %parallel_loop3A_125 : vector<16xi32>
        tpu.vector_store_idx %arg6[%parallel_loop3A_124], %broadcast_in_dim3A_1 masked %parallel_loop3A_126 {add = true} : memref<8320xf32, #tpu.memory_space<vmem>>[vector<16xi32>], vector<16xf32>, vector<16xi1>
      } {sc.loop_unroll_factor = 4 : i64, sc.parallel_access}
      %scan3A_111 = arith.constant 0 : i32
      scf.yield %scan3A_111 : i32
    }
    %scan3A_19 = arith.constant 32 : i32
    %add3A_20 = arith.constant 2016 : i32
    %add3A_21 = arith.addi %add3A, %add3A_20 : i32
    %dma_wait3A = arith.constant 0 : i32
    %dma_wait3A_22 = tpu.memref_slice %arg2[%add3A_21, %dma_wait3A] : memref<2048x2048xf32, #tpu.memory_space<hbm>> -> memref<1x2048xf32, #tpu.memory_space<hbm>>
    %dma_wait3A_23 = tpu.memref_squeeze %dma_wait3A_22 : memref<1x2048xf32, #tpu.memory_space<hbm>> -> memref<2048xf32, #tpu.memory_space<hbm>>
    %dma_wait3A_24 = arith.constant 0 : i32
    %dma_wait3A_25 = tpu.memref_slice %arg2[%add3A_21, %dma_wait3A_24] : memref<2048x2048xf32, #tpu.memory_space<hbm>> -> memref<1x2048xf32, #tpu.memory_space<hbm>>
    %dma_wait3A_26 = tpu.memref_squeeze %dma_wait3A_25 : memref<1x2048xf32, #tpu.memory_space<hbm>> -> memref<2048xf32, #tpu.memory_space<hbm>>
    tpu.wait_dma2 semaphore(%arg7 : memref<!tpu.dma_semaphore, #tpu.memory_space<semaphore_mem>>) src(%dma_wait3A_26 : memref<2048xf32, #tpu.memory_space<hbm>>) dst(%arg4 : memref<2048xf32, #tpu.memory_space<vmem>>)
    "tpu.region"() ({
      %run_scoped3A = tpu.sem_alloc : memref<!tpu.dma_semaphore, #tpu.memory_space<semaphore_mem>>
      %dma_start3A_27 = arith.constant 0 : i32
      %dma_start3A_28 = tpu.memref_slice %arg3[%add3A, %dma_start3A_27] : memref<32x8320xf32, #tpu.memory_space<hbm>> -> memref<1x8320xf32, #tpu.memory_space<hbm>>
      %dma_start3A_29 = tpu.memref_squeeze %dma_start3A_28 : memref<1x8320xf32, #tpu.memory_space<hbm>> -> memref<8320xf32, #tpu.memory_space<hbm>>
      %dma_start3A_30 = arith.constant 0 : i32
      %dma_start3A_31 = tpu.memref_slice %arg3[%add3A, %dma_start3A_30] : memref<32x8320xf32, #tpu.memory_space<hbm>> -> memref<1x8320xf32, #tpu.memory_space<hbm>>
      %dma_start3A_32 = tpu.memref_squeeze %dma_start3A_31 : memref<1x8320xf32, #tpu.memory_space<hbm>> -> memref<8320xf32, #tpu.memory_space<hbm>>
      tpu.enqueue_dma source(%arg6 : memref<8320xf32, #tpu.memory_space<vmem>>) target(%dma_start3A_32 : memref<8320xf32, #tpu.memory_space<hbm>>) target_semaphore(%run_scoped3A : memref<!tpu.dma_semaphore, #tpu.memory_space<semaphore_mem>>)
      %dma_wait3A_33 = arith.constant 0 : i32
      %dma_wait3A_34 = tpu.memref_slice %arg3[%add3A, %dma_wait3A_33] : memref<32x8320xf32, #tpu.memory_space<hbm>> -> memref<1x8320xf32, #tpu.memory_space<hbm>>
      %dma_wait3A_35 = tpu.memref_squeeze %dma_wait3A_34 : memref<1x8320xf32, #tpu.memory_space<hbm>> -> memref<8320xf32, #tpu.memory_space<hbm>>
      %dma_wait3A_36 = arith.constant 0 : i32
      %dma_wait3A_37 = tpu.memref_slice %arg3[%add3A, %dma_wait3A_36] : memref<32x8320xf32, #tpu.memory_space<hbm>> -> memref<1x8320xf32, #tpu.memory_space<hbm>>
      %dma_wait3A_38 = tpu.memref_squeeze %dma_wait3A_37 : memref<1x8320xf32, #tpu.memory_space<hbm>> -> memref<8320xf32, #tpu.memory_space<hbm>>
      tpu.wait_dma2 semaphore(%run_scoped3A : memref<!tpu.dma_semaphore, #tpu.memory_space<semaphore_mem>>) src(%arg6 : memref<8320xf32, #tpu.memory_space<vmem>>) dst(%dma_wait3A_38 : memref<8320xf32, #tpu.memory_space<hbm>>)
      tpu.yield
    }) : () -> ()
    return
  }
}

module attributes {stable_mosaic.version = 14 : i64} {
  func.func @_pos_body(%arg0: i32, %arg1: memref<3xf32, #tpu.memory_space<smem>>, %arg2: memref<128x3xf32, #tpu.memory_space<vmem>>, %arg3: memref<3x2048xf32, #tpu.memory_space<vmem>>, %arg4: memref<128x2048xf32, #tpu.memory_space<vmem>>) attributes {dimension_semantics = [#tpu.dimension_semantics<arbitrary>], iteration_bounds = array<i64: 16>, scalar_prefetch = 0 : i64, scratch_operands = 0 : i64, tpu.core_type = #tpu.core_type<tc>, window_params = [{transform_indices = @transform_0, window_bounds = array<i64: 3>}, {transform_indices = @transform_1, window_bounds = array<i64: 128, 3>}, {pipeline_mode = #tpu.pipeline_mode<synchronous>, transform_indices = @transform_2, window_bounds = array<i64: 3, 2048>}, {transform_indices = @transform_3, window_bounds = array<i64: 128, 2048>}]} {
    %broadcast_in_dim3A = arith.constant 0.000000e+00 : f32
    %broadcast_in_dim3A_0 = vector.broadcast %broadcast_in_dim3A : f32 to vector<128x2048xf32>
    %get3A = arith.constant 0 : index
    %get3A_1 = memref.load %arg1[%get3A] : memref<3xf32, #tpu.memory_space<smem>>
    %get3A_2 = arith.constant 0 : index
    %get3A_3 = arith.constant 0 : index
    %get3A_4 = vector.load %arg2[%get3A_2, %get3A_3] : memref<128x3xf32, #tpu.memory_space<vmem>>, vector<128x1xf32>
    %get3A_5 = arith.constant 0 : index
    %get3A_6 = arith.constant 0 : index
    %get3A_7 = vector.load %arg3[%get3A_5, %get3A_6] : memref<3x2048xf32, #tpu.memory_space<vmem>>, vector<1x2048xf32>
    %sub3A = vector.broadcast %get3A_7 : vector<1x2048xf32> to vector<128x2048xf32>
    %sub3A_8 = vector.broadcast %get3A_4 : vector<128x1xf32> to vector<128x2048xf32>
    %sub3A_9 = arith.subf %sub3A, %sub3A_8 : vector<128x2048xf32>
    %div3A = arith.constant 1.000000e+00 : f32
    %div3A_10 = arith.divf %div3A, %get3A_1 : f32
    %mul3A = vector.broadcast %div3A_10 : f32 to vector<128x2048xf32>
    %mul3A_11 = arith.mulf %sub3A_9, %mul3A : vector<128x2048xf32>
    %round3A = math.roundeven %mul3A_11 : vector<128x2048xf32>
    %mul3A_12 = vector.broadcast %get3A_1 : f32 to vector<128x2048xf32>
    %mul3A_13 = arith.mulf %mul3A_12, %round3A : vector<128x2048xf32>
    %sub3A_14 = arith.subf %sub3A_9, %mul3A_13 : vector<128x2048xf32>
    %mul3A_15 = arith.mulf %sub3A_14, %sub3A_14 : vector<128x2048xf32>
    %add3A = arith.addf %broadcast_in_dim3A_0, %mul3A_15 : vector<128x2048xf32>
    %get3A_16 = arith.constant 1 : index
    %get3A_17 = memref.load %arg1[%get3A_16] : memref<3xf32, #tpu.memory_space<smem>>
    %get3A_18 = arith.constant 0 : index
    %get3A_19 = arith.constant 1 : index
    %get3A_20 = vector.load %arg2[%get3A_18, %get3A_19] : memref<128x3xf32, #tpu.memory_space<vmem>>, vector<128x1xf32>
    %get3A_21 = arith.constant 1 : index
    %get3A_22 = arith.constant 0 : index
    %get3A_23 = vector.load %arg3[%get3A_21, %get3A_22] : memref<3x2048xf32, #tpu.memory_space<vmem>>, vector<1x2048xf32>
    %sub3A_24 = vector.broadcast %get3A_23 : vector<1x2048xf32> to vector<128x2048xf32>
    %sub3A_25 = vector.broadcast %get3A_20 : vector<128x1xf32> to vector<128x2048xf32>
    %sub3A_26 = arith.subf %sub3A_24, %sub3A_25 : vector<128x2048xf32>
    %div3A_27 = arith.constant 1.000000e+00 : f32
    %div3A_28 = arith.divf %div3A_27, %get3A_17 : f32
    %mul3A_29 = vector.broadcast %div3A_28 : f32 to vector<128x2048xf32>
    %mul3A_30 = arith.mulf %sub3A_26, %mul3A_29 : vector<128x2048xf32>
    %round3A_31 = math.roundeven %mul3A_30 : vector<128x2048xf32>
    %mul3A_32 = vector.broadcast %get3A_17 : f32 to vector<128x2048xf32>
    %mul3A_33 = arith.mulf %mul3A_32, %round3A_31 : vector<128x2048xf32>
    %sub3A_34 = arith.subf %sub3A_26, %mul3A_33 : vector<128x2048xf32>
    %mul3A_35 = arith.mulf %sub3A_34, %sub3A_34 : vector<128x2048xf32>
    %add3A_36 = arith.addf %add3A, %mul3A_35 : vector<128x2048xf32>
    %get3A_37 = arith.constant 2 : index
    %get3A_38 = memref.load %arg1[%get3A_37] : memref<3xf32, #tpu.memory_space<smem>>
    %get3A_39 = arith.constant 0 : index
    %get3A_40 = arith.constant 2 : index
    %get3A_41 = vector.load %arg2[%get3A_39, %get3A_40] : memref<128x3xf32, #tpu.memory_space<vmem>>, vector<128x1xf32>
    %get3A_42 = arith.constant 2 : index
    %get3A_43 = arith.constant 0 : index
    %get3A_44 = vector.load %arg3[%get3A_42, %get3A_43] : memref<3x2048xf32, #tpu.memory_space<vmem>>, vector<1x2048xf32>
    %sub3A_45 = vector.broadcast %get3A_44 : vector<1x2048xf32> to vector<128x2048xf32>
    %sub3A_46 = vector.broadcast %get3A_41 : vector<128x1xf32> to vector<128x2048xf32>
    %sub3A_47 = arith.subf %sub3A_45, %sub3A_46 : vector<128x2048xf32>
    %div3A_48 = arith.constant 1.000000e+00 : f32
    %div3A_49 = arith.divf %div3A_48, %get3A_38 : f32
    %mul3A_50 = vector.broadcast %div3A_49 : f32 to vector<128x2048xf32>
    %mul3A_51 = arith.mulf %sub3A_47, %mul3A_50 : vector<128x2048xf32>
    %round3A_52 = math.roundeven %mul3A_51 : vector<128x2048xf32>
    %mul3A_53 = vector.broadcast %get3A_38 : f32 to vector<128x2048xf32>
    %mul3A_54 = arith.mulf %mul3A_53, %round3A_52 : vector<128x2048xf32>
    %sub3A_55 = arith.subf %sub3A_47, %mul3A_54 : vector<128x2048xf32>
    %mul3A_56 = arith.mulf %sub3A_55, %sub3A_55 : vector<128x2048xf32>
    %add3A_57 = arith.addf %add3A_36, %mul3A_56 : vector<128x2048xf32>
    %sqrt3A = math.sqrt %add3A_57 : vector<128x2048xf32>
    %mul3A_58 = arith.constant 1.024000e+03 : f32
    %mul3A_59 = vector.broadcast %mul3A_58 : f32 to vector<128x2048xf32>
    %mul3A_60 = arith.mulf %sqrt3A, %mul3A_59 : vector<128x2048xf32>
    %min3A = arith.constant 8.192000e+03 : f32
    %min3A_61 = vector.broadcast %min3A : f32 to vector<128x2048xf32>
    %min3A_62 = arith.minimumf %mul3A_60, %min3A_61 : vector<128x2048xf32>
    %gt3A = arith.constant 0.000000e+00 : f32
    %gt3A_63 = vector.broadcast %gt3A : f32 to vector<128x2048xf32>
    %gt3A_64 = arith.cmpf ogt, %add3A_57, %gt3A_63 : vector<128x2048xf32>
    %jit3A = arith.constant 8.192000e+03 : f32
    %broadcast_in_dim3A_65 = vector.broadcast %jit3A : f32 to vector<128x2048xf32>
    %select_n3A = arith.select %gt3A_64, %min3A_62, %broadcast_in_dim3A_65 : vector<128x2048xi1>, vector<128x2048xf32>
    %swap3A = arith.constant 0 : index
    %swap3A_66 = arith.constant 0 : index
    %swap3A_67 = vector.load %arg4[%swap3A, %swap3A_66] : memref<128x2048xf32, #tpu.memory_space<vmem>>, vector<128x2048xf32>
    tpu.vector_store %arg4[%swap3A, %swap3A_66], %select_n3A {strides = array<i32>} : memref<128x2048xf32, #tpu.memory_space<vmem>>, vector<128x2048xf32>,
    return
  }
  func.func @transform_0(%arg0: i32) -> i32 {
    %c0_i32 = arith.constant 0 : i32
    %c0_i32_0 = arith.constant 0 : i32
    return %c0_i32 : i32
  }
  func.func @transform_1(%arg0: i32) -> (i32, i32) {
    %c0_i32 = arith.constant 0 : i32
    %c0_i32_0 = arith.constant 0 : i32
    return %arg0, %c0_i32 : i32, i32
  }
  func.func @transform_2(%arg0: i32) -> (i32, i32) {
    %c0_i32 = arith.constant 0 : i32
    %c0_i32_0 = arith.constant 0 : i32
    %c0_i32_1 = arith.constant 0 : i32
    return %c0_i32, %c0_i32_0 : i32, i32
  }
  func.func @transform_3(%arg0: i32) -> (i32, i32) {
    %c0_i32 = arith.constant 0 : i32
    %c0_i32_0 = arith.constant 0 : i32
    return %arg0, %c0_i32 : i32, i32
  }
}

module attributes {stable_mosaic.version = 14 : i64} {
  func.func @_finish_body(%arg0: memref<32x8320xf32, #tpu.memory_space<vmem>>, %arg1: memref<1x128xf32, #tpu.memory_space<vmem>>, %arg2: memref<1x128xf32, #tpu.memory_space<vmem>>) attributes {dimension_semantics = [], scalar_prefetch = 0 : i64, scratch_operands = 0 : i64, tpu.core_type = #tpu.core_type<tc>} {
    %get3A = arith.constant 0 : index
    %get3A_0 = arith.constant 0 : index
    %get3A_1 = vector.load %arg0[%get3A, %get3A_0] : memref<32x8320xf32, #tpu.memory_space<vmem>>, vector<32x8320xf32>
    %reduce_sum3A = arith.constant dense<0.000000e+00> : vector<8320xf32>
    %reduce_sum3A_2 = vector.multi_reduction <add>, %get3A_1, %reduce_sum3A [0] : vector<32x8320xf32> to vector<8320xf32>
    %broadcast_in_dim3A = vector.shape_cast %reduce_sum3A_2 : vector<8320xf32> to vector<1x8320xf32>
    %slice3A = vector.extract_strided_slice %broadcast_in_dim3A {offsets = [0, 0], sizes = [1, 8192], strides = [1, 1]} : vector<1x8320xf32> to vector<1x8192xf32>
    %iota3A = tpu.iota {dimensions = array<i32: 0>} : vector<8192x128xi32>
    %convert_element_type3A = arith.sitofp %iota3A : vector<8192x128xi32> to vector<8192x128xf32>
    %mul3A = arith.constant 9.765625E-4 : f32
    %mul3A_3 = vector.broadcast %mul3A : f32 to vector<8192x128xf32>
    %mul3A_4 = arith.mulf %convert_element_type3A, %mul3A_3 : vector<8192x128xf32>
    %iota3A_5 = tpu.iota {dimensions = array<i32: 1>} : vector<8192x128xi32>
    %convert_element_type3A_6 = arith.sitofp %iota3A_5 : vector<8192x128xi32> to vector<8192x128xf32>
    %mul3A_7 = arith.constant 0.0590551198 : f32
    %mul3A_8 = vector.broadcast %mul3A_7 : f32 to vector<8192x128xf32>
    %mul3A_9 = arith.mulf %convert_element_type3A_6, %mul3A_8 : vector<8192x128xf32>
    %sub3A = arith.subf %mul3A_4, %mul3A_9 : vector<8192x128xf32>
    %mul3A_10 = arith.constant -143.368896 : f32
    %mul3A_11 = vector.broadcast %mul3A_10 : f32 to vector<8192x128xf32>
    %mul3A_12 = arith.mulf %mul3A_11, %sub3A : vector<8192x128xf32>
    %mul3A_13 = arith.mulf %mul3A_12, %sub3A : vector<8192x128xf32>
    %exp3A = math.exp %mul3A_13 : vector<8192x128xf32>
    %dot_general3A = arith.constant dense<0.000000e+00> : vector<1x128xf32>
    %dot_general3A_14 = tpu.matmul %slice3A, %exp3A, %dot_general3A {dimension_numbers = #tpu.dot_dimension_numbers<[1], [0], [0], [1], [0, 0, 1, 1], [], []>, transpose_lhs_hint = false} : vector<1x8192xf32>, vector<8192x128xf32>, vector<1x128xf32> -> vector<1x128xf32>
    %reduce_sum3A_15 = vector.shape_cast %dot_general3A_14 : vector<1x128xf32> to vector<1x1x128xf32>
    %reduce_sum3A_16 = arith.constant dense<0.000000e+00> : vector<1xf32>
    %reduce_sum3A_17 = vector.multi_reduction <add>, %reduce_sum3A_15, %reduce_sum3A_16 [1, 2] : vector<1x1x128xf32> to vector<1xf32>
    %reduce_sum3A_18 = vector.shape_cast %reduce_sum3A_17 : vector<1xf32> to vector<1x1x1xf32>
    %reduce_sum3A_19 = vector.extract %reduce_sum3A_18[0, 0, 0] : f32 from vector<1x1x1xf32>
    %div3A = vector.broadcast %reduce_sum3A_19 : f32 to vector<1x128xf32>
    %div3A_20 = arith.divf %dot_general3A_14, %div3A : vector<1x128xf32>
    %iota3A_21 = tpu.iota {dimensions = array<i32: 1>} : vector<1x128xi32>
    %convert_element_type3A_22 = arith.sitofp %iota3A_21 : vector<1x128xi32> to vector<1x128xf32>
    %mul3A_23 = arith.constant 0.05859375 : f32
    %mul3A_24 = vector.broadcast %mul3A_23 : f32 to vector<1x128xf32>
    %mul3A_25 = arith.mulf %convert_element_type3A_22, %mul3A_24 : vector<1x128xf32>
    %add3A = arith.constant 1.000000e+00 : f32
    %add3A_26 = vector.broadcast %add3A : f32 to vector<1x128xf32>
    %add3A_27 = arith.addf %convert_element_type3A_22, %add3A_26 : vector<1x128xf32>
    %mul3A_28 = arith.constant 0.05859375 : f32
    %mul3A_29 = vector.broadcast %mul3A_28 : f32 to vector<1x128xf32>
    %mul3A_30 = arith.mulf %add3A_27, %mul3A_29 : vector<1x128xf32>
    %mul3A_31 = arith.constant 4.218750e+02 : f32
    %mul3A_32 = vector.broadcast %mul3A_31 : f32 to vector<1x128xf32>
    %mul3A_33 = arith.mulf %div3A_20, %mul3A_32 : vector<1x128xf32>
    %mul3A_34 = arith.mulf %mul3A_30, %mul3A_30 : vector<1x128xf32>
    %mul3A_35 = arith.mulf %mul3A_34, %mul3A_30 : vector<1x128xf32>
    %mul3A_36 = arith.mulf %mul3A_25, %mul3A_25 : vector<1x128xf32>
    %mul3A_37 = arith.mulf %mul3A_36, %mul3A_25 : vector<1x128xf32>
    %sub3A_38 = arith.subf %mul3A_35, %mul3A_37 : vector<1x128xf32>
    %div3A_39 = arith.divf %mul3A_33, %sub3A_38 : vector<1x128xf32>
    %swap3A = arith.constant 0 : index
    %swap3A_40 = arith.constant 0 : index
    %swap3A_41 = vector.load %arg2[%swap3A, %swap3A_40] : memref<1x128xf32, #tpu.memory_space<vmem>>, vector<1x128xf32>
    tpu.vector_store %arg2[%swap3A, %swap3A_40], %div3A_39 {strides = array<i32>} : memref<1x128xf32, #tpu.memory_space<vmem>>, vector<1x128xf32>,
    %swap3A_42 = arith.constant 0 : index
    %swap3A_43 = arith.constant 0 : index
    %swap3A_44 = vector.load %arg1[%swap3A_42, %swap3A_43] : memref<1x128xf32, #tpu.memory_space<vmem>>, vector<1x128xf32>
    tpu.vector_store %arg1[%swap3A_42, %swap3A_43], %div3A_20 {strides = array<i32>} : memref<1x128xf32, #tpu.memory_space<vmem>>, vector<1x128xf32>,
    return
  }
}

</mosaic_0001>

<sc_bundles>
// kernel: kernel.5.cloned.1.call-start
scs
__scs_entry_jumppad:
0x0: {  	(pc) =	sbr.rel $0x88, $3  }
0x1: {  	(tag) =	ssettag $0x0;
	lr =	simm.s32 $0x1  }
0x2: {  	[smem:$0x3F9F] =	sst lr;
	_ =	strace $0xD0000000  }
0x3: {  	_ = 	snop  }
0x4: {  	_ = 	snop  }
0x5: {  	_ = 	snop  }
0x6: {  	_ = 	snop  }
0x7: {  	_ = 	snop  }
__scs_overlays_trampoline_lowered:
0x8: {  	[smem:$0x3FAE] =	sst s0  }
0x9: {  	[smem:$0x3FAF] =	sst s1  }
0xa: {  	[smem:$0x3FB0] =	sst s2  }
0xb: {  	[smem:$0x3FB1] =	sst s3  }
0xc: {  	[smem:$0x3FB2] =	sst s4  }
0xd: {  	[smem:$0x3FB3] =	sst s5  }
0xe: {  	[smem:$0x3FB4] =	sst s6  }
0xf: {  	[smem:$0x3FB5] =	sst s7  }
0x10: {  	[smem:$0x3FB6] =	sst s8  }
0x11: {  	[smem:$0x3FB7] =	sst s9;
	s0 =	simm.s32 @!p0 $0x0  }
0x12: {  	s1 =	sld [smem:$0x3F9D];
	s0 =	simm.s32 @p0 $0x1  }
0x13: {  	[smem:$0x3FB8] =	sst s0;
	s0 =	simm.s32 @!p1 $0x0  }
0x14: {  	s2 =	sld [smem:$0x3F9C];
	s0 =	simm.s32 @p1 $0x1  }
0x15: {  	[smem:$0x3FB9] =	sst s0;
	s0 =	simm.s32 @!p2 $0x0  }
0x16: {  	s3 =	sld [smem:$0x3FDB];
	s0 =	simm.s32 @p2 $0x1  }
0x17: {  	s4 =	simm.s32 $0x1BF5;
	[smem:$0x3FBB] =	sst s0  }
0x18: {  	s0 =	sld [smem:$0x3F9E];
	_ =	swait.ge [sflag:s4], $0x0  }
0x19: {  	s7 =	sld [smem:$0x3F9F]  }
0x1a: {  	s8 =	sadd.s32 $0xFFFFE003, lr  }
0x1b: {  	s9 =	sadd.s32 $0xFFFFFEF7, lr;
	s5 =	simm.s32 $0xFFFFFFFF;
	p2 =	slt.u32 s8, $0xFFFFF086  }
0x1c: {  	p1 =	slt.u32 s9, $0xF7A;
	s5 =	simm.s32 @!p2 $0x0  }
0x1d: {  	s5 =	simm.s32 @p1 $0x1;
	p0 =	seq.s32 s7, s2  }
0x1e: {  	s7 =	smul.u32 @!p0 $0xF7A, s2;
	p2 =	seq.s32 @!p0 s5, $0x0  }
0x1f: {  	s9 =	smul.u32 $0xF7A, s1;
	s8 =	simm.s32 @!p0 $0x1BF5;
	p2 =	por !p2, p0  }
0x20: {  	[sflag:s8] =	ssyncset.s32 @!p0 $0xFFFFF086;
	s6 =	sadd.s32 @!p0 s3, s7;
	s7 =	simm.s32 @!p0 $0x108  }
0x21: {  	s3 =	sadd.s32 s3, s9;
	s6 =	sadd.s32 @!p0 $0x88, s6;
	s7 =	simm.s32 @p2 $0x1082  }
0x22: {  	[simem:s7], [sflag:s8] =	dma.local @!p0 [hbm:s6], $0xF7A  }
0x23: {  	s9 =	sor.u32 $0xD0000000, s2;
	s6 =	simm.s32 $0x108;
	_ =	swait.ge @!p0 [sflag:s8], $0x0  }
0x24: {  	s3 =	sadd.s32 $0x88, s3;
	s6 =	simm.s32 @!p1 $0x1082;
	[sflag:s4] =	ssyncset.s32 $0xFFFFF086  }
0x25: {  	[simem:s6], [sflag:s4] =	dma.local [hbm:s3], $0xF7A  }
0x26: {  	[smem:$0x3F9F] =	sst s1;
	(tag) =	ssettag s2;
	_ =	strace s9  }
0x27: {  	s1 =	sld [smem:$0x3FAF]  }
0x28: {  	s2 =	sld [smem:$0x3FB0]  }
0x29: {  	s4 =	sld [smem:$0x3FB2]  }
0x2a: {  	p0 =	seq.s32 s5, $0x0;
	s5 =	sld [smem:$0x3FB3]  }
0x2b: {  	s6 =	sld [smem:$0x3FB4]  }
0x2c: {  	s7 =	sld [smem:$0x3FB5]  }
0x2d: {  	s3 =	simm.s32 $0x108;
	s8 =	sld [smem:$0x3FB6]  }
0x2e: {  	s3 =	simm.s32 @!p0 $0x1082;
	s9 =	sld [smem:$0x3FB7]  }
0x2f: {  	lr =	sadd.s32 s0, s3;
	s0 =	sld [smem:$0x3FAE]  }
0x30: {  	s3 =	sld [smem:$0x3FB1]  }
0x31: {  	[smem:$0x3FBA] =	sst s10  }
0x32: {  	s10 =	sld [smem:$0x3FB8];
	_ =	sdelay $0x3  }
0x33: {  	p0 =	seq.s32 s10, $0x1;
	s10 =	sld [smem:$0x3FBA];
	_ =	sdelay $0x3  }
0x34: {  	[smem:$0x3FBA] =	sst s10  }
0x35: {  	s10 =	sld [smem:$0x3FB9];
	_ =	sdelay $0x3  }
0x36: {  	p1 =	seq.s32 s10, $0x1;
	s10 =	sld [smem:$0x3FBA];
	_ =	sdelay $0x3  }
0x37: {  	[smem:$0x3FBA] =	sst s10  }
0x38: {  	s10 =	sld [smem:$0x3FBB]  }
0x39: {  	_ = 	snop;
	(pc) =	sbr.ind lr, $3  }
0x3a: {  	_ = 	snop  }
0x3b: {  	_ = 	snop  }
0x3c: {  	p2 =	seq.s32 s10, $0x1;
	s10 =	sld [smem:$0x3FBA]  }
0x3d: {  	_ =	shalt  }
0x3e: {  	_ =	shalt  }
0x3f: {  	_ =	shalt  }
0x40: {  	_ =	shalt  }
0x41: {  	_ =	shalt  }
0x42: {  	_ =	shalt  }
0x43: {  	_ =	shalt  }
0x44: {  	_ =	shalt  }
0x45: {  	_ =	shalt  }
0x46: {  	_ =	shalt  }
0x47: {  	_ =	shalt  }
0x48: {  	_ =	shalt  }
0x49: {  	_ =	shalt  }
0x4a: {  	_ =	shalt  }
0x4b: {  	_ =	shalt  }
0x4c: {  	_ =	shalt  }
0x4d: {  	_ =	shalt  }
0x4e: {  	_ =	shalt  }
0x4f: {  	_ =	shalt  }
0x50: {  	_ =	shalt  }
0x51: {  	_ =	shalt  }
0x52: {  	_ =	shalt  }
0x53: {  	_ =	shalt  }
0x54: {  	_ =	shalt  }
0x55: {  	_ =	shalt  }
0x56: {  	_ =	shalt  }
0x57: {  	_ =	shalt  }
0x58: {  	_ =	shalt  }
0x59: {  	_ =	shalt  }
0x5a: {  	_ =	shalt  }
0x5b: {  	_ =	shalt  }
0x5c: {  	_ =	shalt  }
0x5d: {  	_ =	shalt  }
0x5e: {  	_ =	shalt  }
0x5f: {  	_ =	shalt  }
0x60: {  	_ =	shalt  }
0x61: {  	_ =	shalt  }
0x62: {  	_ =	shalt  }
0x63: {  	_ =	shalt  }
0x64: {  	_ =	shalt  }
0x65: {  	_ =	shalt  }
0x66: {  	_ =	shalt  }
0x67: {  	_ =	shalt  }
0x68: {  	_ =	shalt  }
0x69: {  	_ =	shalt  }
0x6a: {  	_ =	shalt  }
0x6b: {  	_ =	shalt  }
0x6c: {  	_ =	shalt  }
0x6d: {  	_ =	shalt  }
0x6e: {  	_ =	shalt  }
0x6f: {  	_ =	shalt  }
0x70: {  	_ =	shalt  }
0x71: {  	_ =	shalt  }
0x72: {  	_ =	shalt  }
0x73: {  	_ =	shalt  }
0x74: {  	_ =	shalt  }
0x75: {  	_ =	shalt  }
0x76: {  	_ =	shalt  }
0x77: {  	_ =	shalt  }
0x78: {  	_ =	shalt  }
0x79: {  	_ =	shalt  }
0x7a: {  	_ =	shalt  }
0x7b: {  	_ =	shalt  }
0x7c: {  	_ =	shalt  }
0x7d: {  	_ =	shalt  }
0x7e: {  	_ =	shalt  }
0x7f: {  	_ =	shalt  }
0x80: {  	_ =	shalt  }
0x81: {  	_ =	shalt  }
0x82: {  	_ =	shalt  }
0x83: {  	_ =	shalt  }
0x84: {  	_ =	shalt  }
0x85: {  	_ =	shalt  }
0x86: {  	_ =	shalt  }
0x87: {  	_ =	shalt  }
.Lfunc_end0:
.L_simem_size_0:
called_computation_lowered:
.L_overlay_start_0:
0x88: {  	s2 =	sld [smem:$0x3FD9]  }
0x89: {  	s3 =	sld [smem:$0x3FFE];
	_ =	sdelay $0x1  }
0x8a: {  	s1 =	srdreg.scid  }
0x8b: {  	s0 =	sand.u32 $0x1, s1  }
0x8c: {  	s16 =	sshll.u32 s0, $0xA;
	s2 =	sadd.s32 s3, s2  }
0x8d: {  	s2 =	sadd.s32 s2, s16  }
0x8e: {  	[smem:$0x3FC6] =	sst s2  }
0x8f: {  	_ = 	snop  }
0x90: {  	(tm) =	ssettm $0x1  }
0x91: {  	s17 =	sld [smem:$0x3FFB];
	_ =	sdelay $0x3  }
0x92: {  	_ =	strace s17  }
0x93: {  	s2 =	sld [smem:$0x3FFC];
	_ =	sdelay $0x3  }
0x94: {  	_ =	strace s2  }
0x95: {  	s2 =	sld [smem:$0x3FFD];
	_ =	sdelay $0x3  }
0x96: {  	_ =	strace s2  }
0x97: {  	_ =	strace $0x8FFFFFFF  }
0x98: {  	s18 =	sld [smem:$0x3FDB];
	_ =	sdelay $0x1  }
0x99: {  	s19 =	simm.s32 $_scs_section_size  }
0x9a: {  	s4 =	simm.s32 $_size__tile_overlayer_lowered;
	s5 =	simm.s32 $_tile_overlayer_lowered  }
0x9b: {  	s22 =	simm.s32 $0x1BFF;
	s21 =	sshll.u32 s5, $0x1;
	s2 =	sadd.s32 s19, s18  }
0x9c: {  	s6 =	simm.s32 $0x0;
	s20 =	sshll.u32 s4, $0x1;
	s4 =	sadd.s32 s21, s2  }
0x9d: {  	[timem:s6], [sflag:s22] =	dma.local [hbm:s4], s20  }
0x9e: {  	_ =	swait.ge [sflag:s22], s20  }
0x9f: {  	s3 =	ssub.s32 $0x0, s20;
	[sflag:s22] =	ssyncset.done $0x0  }
0xa0: {  	[sflag:s22] =	ssyncadd.s32 s3;
	_ =	sdelay $0x1  }
0xa1: {  	s23 =	simm.s32 $0x1B8B  }
0xa2: {  	_ =	swait.ge [sflag:s23], $0x1  }
0xa3: {  	[sflag:s23] =	ssyncset.done $0x0  }
0xa4: {  	s25 =	simm.s32 $0x1B8E;
	s24 =	sld [smem:$0x3FFE];
	[sflag:s23] =	ssyncadd.s32 $0xFFFFFFFF  }
0xa5: {  	s26 =	simm.s32 $execute0_lowered;
	[smem:$0x3FD2] =	sst s25  }
0xa6: {  	s4 =	sshll.u32 s26, $0x1;
	_ =	strace $0x80000046;
	[dreg:$0x1] =	wrdreg $0xFFFFFFFF  }
0xa7: {  	s28 =	simm.s32 $_size_execute0_lowered;
	s2 =	sadd.s32 s2, s4;
	[dreg:$0x0] =	wrdreg $0x0  }
0xa8: {  	s4 =	sshll.u32 s28, $0x1;
	[dreg:$0x2] =	wrdreg s2  }
0xa9: {  	[dreg:$0x3] =	wrdreg s4  }
0xaa: {  	[dreg:$0x4] =	wrdreg $0xC0  }
0xab: {  	_ =	task [dreg:s6], $0x5FFFF  }
0xac: {  	[dreg:$0x1] =	wrdreg $0xFFFFFFFF  }
0xad: {  	[dreg:$0x0] =	wrdreg $0x60  }
0xae: {  	[dreg:$0x2] =	wrdreg s24  }
0xaf: {  	[dreg:$0x3] =	wrdreg $0x9  }
0xb0: {  	_ =	task.clear_ibuf [dreg:s6], $0x4FFFF;
	_ =	strace $0x90000046  }
0xb1: {  	s29 =	simm.s32 $0x9;
	_ =	strace $0x80000048  }
0xb2: {  	_ =	swait.ge [sflag:s29], $0x1  }
0xb3: {  	[sflag:s29] =	ssyncadd.s32 $0xFFFFFFFF  }
0xb4: {  	_ =	strace $0x90000048  }
0xb5: {  	_ =	sfence  }
0xb6: {  	s30 =	sld [smem:$0x0];
	_ =	sdelay $0x2  }
0xb7: {  	s31 =	sshll.u32 s1, $0xD;
	s1 =	sshrl.u32 s1, $0x2  }
0xb8: {  	s3 =	sand.u32 $0x4000, s31;
	s1 =	sadd.s32 s1, s30  }
0xb9: {  	s0 =	sor.u32 s3, s0;
	s1 =	sshll.u32 s1, $0x11  }
0xba: {  	s0 =	sor.u32 s1, s0  }
0xbb: {  	s0 =	sadd.s32 $0x8F2B, s0  }
0xbc: {  	[sflag:s0] =	ssyncadd.remote.s32 $0x1  }
0xbd: {  	_ =	sfence.sel $0xFFFF  }
0xbe: {  	[dreg:$0x0] =	wrdreg $0xFFFFFFFF;
	(pc) =	sbr.abs _section_cstart, $3  }
0xbf: {  	[dreg:$0x1] =	wrdreg $0xFFFFFFFF  }
0xc0: {  	_ =	task.clear_ibuf [dreg:s6], $0x2FFFF;
	_ =	strace $0x9FFFFFFF  }
0xc1: {  	(tm) =	ssettm $0x7FFFFFFF  }
tec
execute0_lowered:
.L_overlay_start_1:
0x0: {  	(tag) =	ssettag $0x1  }
0x1: {  	s0 =	srdreg.scid  }
0x2: {  	s3 =	stileid.u32;
	s1 =	rddreg [dreg:$0x0];
	s0 =	sand.u32 $0x1, s0  }
0x3: {  	s2 =	sshll.u32 s3, $0x1;
	s5 =	sshrl.u32 s3, $0x2;
	s3 =	simm.s32 $0x0  }
0x4: {  	s2 =	sor.u32 s0, s2;
	s6 =	smul.u32 $0x10400, s5;
	[smem:$0x7FF] =	sst s3  }
0x5: {  	s0 =	ssub.s32 $0x2, s0;
	s5 =	sshll.u32 s5, $0xE;
	s4 =	sshll.u32 s2, $0x7  }
0x6: {  	_ =	strace $0x80000047;
	s8 =	sshrl.u32 s0, $0x1;
	s20 =	sshll.u32 s2, $0x4  }
0x7: {  	s21 =	sadd.s32 $0x21, s2;
	s10 =	sadd.s32 $0x1, s2;
	s7 =	sand.u32 $0x380, s4  }
0x8: {  	s4 =	sadd.s32 $0xC00, s1;
	s0 =	ssub.s32 s0, s8;
	s22 =	sshrl.u32 s21, $0x4  }
0x9: {  	s24 =	sand.u32 $0x30, s10;
	s25 =	sshrl.u32 s10, $0x4;
	s29 =	sand.u32 $0x70, s21  }
0xa: {  	s21 =	simm.s32 $0x80;
	s6 =	sor.u32 s6, s7;
	s5 =	sor.u32 s5, s7  }
0xb: {  	s23 =	ssub.s32 $0x0, s22;
	s0 =	smax.u32 s0, $0x1;
	[dreg:$0x4] =	wrdreg s24  }
0xc: {  	s7 =	sor.u32 $0x7E0, s2;
	s26 =	sadd.s32 $0x30, s24;
	[dreg:$0x5] =	wrdreg s0  }
0xd: {  	s28 =	sadd.s32 $0xFFFFFFFF, s25;
	s8 =	sadd.s32 $0x30, s29;
	[dreg:$0x6] =	wrdreg s26  }
0xe: {  	s22 =	simm.s32 $0x400;
	s6 =	sshrl.u32 s6, $0x3;
	[dreg:$0x8] =	wrdreg s28  }
0xf: {  	s5 =	sshrl.u32 s5, $0x3;
	s0 =	ssub.s32 $0x80, s25;
	[dreg:$0xa] =	wrdreg s8  }
0x10: {  	s25 =	simm.s32 $0x1000;
	s26 =	simm.s32 $0x2;
	s1 =	sadd.s32 s6, s1  }
0x11: {  	s6 =	sand.u32 $0x70, s20;
	s5 =	sadd.s32 s4, s5;
	[dreg:$0x9] =	wrdreg s0  }
0x12: {  	s0 =	sadd.s32 $0x820, s29;
	[dreg:$0x2] =	wrdreg s5;
	s6 =	sadd.s32 s4, s6  }
0x13: {  	s5 =	sand.u32 $0x3, s23;
	s1 =	sadd.s32 $0x80C00, s1;
	[dreg:$0xb] =	wrdreg s0  }
.Ltmp0:
0x14: {  	s23 =	simm.s32 $0x800;
	[dreg:$0x3] =	wrdreg s1;
	(pc) =	sbr.rel .LBB2_1-.Ltmp0, $4  }
0x15: {  	s9 =	ssub.s32 $0x80, s5;
	s1 =	sadd.s32 $0x20, s24;
	s15 =	sshll.u32 s5, $0x6  }
0x16: {  	s31 =	sshll.u32 s5, $0x4;
	s24 =	simm.s32 $0x1;
	s30 =	ssub.s32 $0x2000, s15  }
0x17: {  	v0 =	vlaneseq.u32;
	p0 =	seq.s32 s5, $0x0;
	[dreg:$0x7] =	wrdreg s1;
	s1 =	sshrl.u32 s30, $0x2  }
0x18: {  	v1 =	vimm.f32 $0.0e+00;
	v2 =	vimm.f32 $1.000000000e+00;
	v3 =	vmul.u32 $0xFFFFFFFF, v0;
	s5 =	simm.s32 $0x0;
	s20 =	ssub.s32 $0x800, s31;
	s19 =	sadd.s32 $0x800, s1  }
.LBB2_20:
0x19: {  	_ =	swait.ge [sflag:s24], $0x800  }
0x1a: {  	[sflag:s24] =	ssyncset.done $0x0  }
0x1b: {  	s1 =	simm.s32 $0x3;
	s0 =	rddreg [dreg:$0x3];
	[sflag:s24] =	ssyncadd.s32 $0xFFFFF800  }
0x1c: {  	[hbm4b:s0+s21] =	stream.strided.scatter [tilespmem:s25], [sflag:$0x3], $0x2080, s22, s21, $0x38;
	[tilespmem:$0x3080] =	vst v63  }
0x1d: {  	_ =	swait.ge [sflag:s1], $0x2080  }
0x1e: {  	s5 =	rddreg [dreg:$0xc]  }
0x1f: {  	s31 =	rddreg [dreg:$0x5];
	s5 =	sadd.s32 $0x1, s5  }
0x20: {  	p1 =	sne.s32 s5, s31  }
.Ltmp1:
0x21: {  	_ = 	snop;
	(pc) =	sbr.rel @!p1 .LBB2_21-.Ltmp1, $3  }
0x22: {  	_ =	sdelay $0x1  }
0x23: {  	[sflag:s1] =	ssyncset.done $0x0  }
0x24: {  	[sflag:s1] =	ssyncadd.s32 $0xFFFFDF80  }
.LBB2_1:
0x25: {  	[dreg:$0xc] =	wrdreg s5;
	s0 =	simm.s32 $0x40;
	s1 =	simm.s32 $0x0  }
.LBB2_2:
0x26: {  	p1 =	sne.s32 s0, $0x81C0;
	[tilespmem:s1+$0x1000] =	vst v1;
	s1 =	smov.u32 s0;
	s0 =	sadd.s32 $0x40, s0  }
.Ltmp2:
0x27: {  	(pc) =	sbr.rel @p1 .LBB2_2-.Ltmp2, $2  }
0x28: {  	_ =	sdelay $0x2  }
0x29: {  	s1 =	sshra.s32 s1, $0x2  }
0x2a: {  	s0 =	rddreg [dreg:$0x2]  }
0x2b: {  	s31 =	rddreg [dreg:$0xb]  }
0x2c: {  	s17 =	rddreg [dreg:$0xa]  }
0x2d: {  	s16 =	rddreg [dreg:$0x9]  }
.Ltmp3:
0x2e: {  	s14 =	rddreg [dreg:$0x8];
	(pc) =	sbr.rel .LBB2_4-.Ltmp3, $4  }
0x2f: {  	[tilespmem:s1+$0x1000] =	vst v1;
	s30 =	simm.s32 $0x0;
	s13 =	rddreg [dreg:$0x7]  }
0x30: {  	[tilespmem:s30], [sflag:$0x1] =	stream.strided.gather [hbm4b:s0+s21], $0x800, s22, s21, $0x38;
	[tilespmem:$0x3080] =	vst v63  }
0x31: {  	s0 =	rddreg [dreg:$0x4]  }
0x32: {  	s18 =	rddreg [dreg:$0x6];
	s10 =	smov.u32 s0  }
.LBB2_19:
0x33: {  	s30 =	sadd.s32 $0x1, s30  }
0x34: {  	p1 =	sne.s32 s30, $0x20  }
.Ltmp4:
0x35: {  	_ = 	snop;
	(pc) =	sbr.rel @!p1 .LBB2_20-.Ltmp4, $4  }
0x36: {  	_ = 	snop  }
0x37: {  	s18 =	sadd.s32 $0x40, s18;
	s13 =	sadd.s32 $0x40, s13  }
0x38: {  	s14 =	sadd.s32 $0x4, s14;
	s16 =	sadd.s32 $0xFFFFFFFC, s16;
	s0 =	sadd.s32 $0x40, s0  }
0x39: {  	s10 =	sadd.s32 $0x40, s10;
	s17 =	sadd.s32 $0x40, s17;
	s31 =	sadd.s32 $0x40, s31  }
.LBB2_4:
0x3a: {  	s1 =	sshll.u32 s30, $0x6  }
0x3b: {  	s11 =	sor.u32 s2, s1  }
0x3c: {  	s8 =	sor.u32 $0x20, s11  }
0x3d: {  	s28 =	sshll.u32 s8, $0x8  }
0x3e: {  	s29 =	sadd.s32 $0x1, s11;
	s1 =	sand.u32 $0xFFFF800, s28  }
0x3f: {  	s5 =	sshrl.u32 s29, $0x4;
	s1 =	sadd.s32 s1, s6  }
0x40: {  	[tilespmem:s23], [sflag:$0x2] =	stream.strided.gather [hbm4b:s1+s21], $0x800, s22, s21, $0x38;
	[tilespmem:$0x3080] =	vst v63  }
0x41: {  	s1 =	ssub.s32 $0x80, s5  }
0x42: {  	s1 =	sand.u32 $0xFC, s1  }
0x43: {  	p1 =	seq.s32 s1, $0x0  }
.Ltmp5:
0x44: {  	_ = 	snop;
	(pc) =	sbr.rel @p1 .LBB2_7-.Ltmp5, $4  }
0x45: {  	_ = 	snop  }
0x46: {  	_ =	swait.ge [sflag:s24], $0x800  }
0x47: {  	[sflag:s24] =	ssyncset.done $0x0  }
0x48: {  	s1 =	sadd.s32 s5, s1;
	[sflag:s24] =	ssyncadd.s32 $0xFFFFF800  }
0x49: {  	s5 =	sadd.s32 $0x4, s5  }
0x4a: {  	v5 =	vld [tilespmem:s13+$0x10];
	p2 =	slt.u32 s5, s1  }
.Ltmp6:
0x4b: {  	_ = 	snop;
	(pc) =	sbr.rel @!p2 .LBB2_6-.Ltmp6, $4  }
0x4c: {  	_ = 	snop  }
0x4d: {  	v11 =	vld [tilespmem:s13+$0xFFFFFFF0]  }
0x4e: {  	v10 =	vld [tilespmem:s13+$0xFFFFFFE0]  }
0x4f: {  	v4 =	vadd.s32 s11, v3;
	v8 =	vld [tilespmem:s13+$0x0];
	p1 =	por $0x0, $0x0;
	v12 =	vadd.f32 $5.000000000e-01, v5  }
0x50: {  	_ =	sdelay $0x1  }
0x51: {  	s28 =	sadd.s32 $0x40, s13;
	v6 =	vmov s18  }
0x52: {  	s12 =	sadd.s32 $0xFFFFFFD0, s18;
	s5 =	sadd.s32 $0x4, s5;
	v9 =	vld [tilespmem:s28+$0x10];
	v5 =	vtrunc.f32 v12;
	v7 =	vadd.f32 $5.000000000e-01, v10;
	v10 =	vadd.f32 $5.000000000e-01, v11  }
0x53: {  	vm0 =	vgt.s32 v6, v4;
	v6 =	vmov s12;
	p2 =	slt.u32 s5, s1;
	v5 =	vcvt.f32.s32 v5  }
.Ltmp7:
0x54: {  	vm1 =	vgt.s32 v6, v4;
	v10 =	vtrunc.f32 v10;
	(pc) =	sbr.rel @!p2 .LBB2_15-.Ltmp7, $4  }
0x55: {  	v8 =	vadd.f32 $5.000000000e-01, v8;
	v7 =	vtrunc.f32 v7;
	v6 =	vcvt.f32.s32 v10;
	v10 =	vld [tilespmem:s28+$0xFFFFFFE0]  }
0x56: {  	s29 =	sadd.s32 $0xFFFFFFE0, s18;
	v11 =	vld [tilespmem:s28+$0xFFFFFFF0];
	v7 =	vcvt.f32.s32 v7  }
0x57: {  	v12 =	vadd.f32 $5.000000000e-01, v9;
	v9 =	vmov s29;
	s29 =	sadd.s32 $0xFFFFFFF0, s18;
	v14 =	vtrunc.f32 v8;
	v8 =	vld [tilespmem:s28+$0x0]  }
0x58: {  	p1 =	por $0x1, $0x1;
	s12 =	sadd.s32 $0x40, s18;
	vm2 =	vgt.s32 v9, v4;
	v13 =	vmov s29;
	v9 =	vcvt.f32.s32 v14  }
.LBB2_14:
0x59: {  	s5 =	sadd.s32 $0x4, s5;
	s29 =	sadd.s32 $0xFFFFFFD0, s12;
	v14 =	vmov s12;
	v12 =	vtrunc.f32 v12;
	s28 =	sadd.s32 $0x40, s28;
	vm3 =	vgt.s32 v13, v4;
	[tilespmem:v5+s25+$0x0] =	vst.idx.add.f32.msk vm0, v2  }
0x5a: {  	v13 =	vld [tilespmem:s28+$0x10];
	p2 =	slt.u32 s5, s1;
	v10 =	vadd.f32 $5.000000000e-01, v10;
	v5 =	vcvt.f32.s32 v12;
	vm0 =	vgt.s32 v14, v4  }
0x5b: {  	v12 =	vadd.f32 $5.000000000e-01, v11;
	v11 =	vld [tilespmem:s28+$0xFFFFFFF0]  }
.Ltmp8:
0x5c: {  	v14 =	vmov s29;
	v15 =	vtrunc.f32 v10;
	v16 =	vadd.f32 $5.000000000e-01, v8;
	[tilespmem:v7+s25+$0x0] =	vst.idx.add.f32.msk vm1, v2;
	(pc) =	sbr.rel @p2 .LBB2_14-.Ltmp8, $4  }
0x5d: {  	v8 =	vtrunc.f32 v12;
	v10 =	vld [tilespmem:s28+$0xFFFFFFE0]  }
0x5e: {  	s29 =	sadd.s32 $0xFFFFFFE0, s12;
	vm1 =	vgt.s32 v14, v4;
	v7 =	vcvt.f32.s32 v15;
	[tilespmem:v6+s25+$0x0] =	vst.idx.add.f32.msk vm2, v2;
	v6 =	vcvt.f32.s32 v8  }
0x5f: {  	v14 =	vtrunc.f32 v16;
	v8 =	vld [tilespmem:s28+$0x0];
	v12 =	vadd.f32 $5.000000000e-01, v13;
	v13 =	vmov s29;
	s29 =	sadd.s32 $0xFFFFFFF0, s12;
	s12 =	sadd.s32 $0x40, s12  }
0x60: {  	vm2 =	vgt.s32 v13, v4;
	v13 =	vmov s29;
	[tilespmem:v9+s25+$0x0] =	vst.idx.add.f32.msk vm3, v2;
	v9 =	vcvt.f32.s32 v14  }
.LBB2_15:
0x61: {  	v14 =	vmov s12;
	v12 =	vtrunc.f32 v12;
	vm3 =	vgt.s32 @p1 v13, v4  }
0x62: {  	s5 =	sadd.s32 $0xFFFFFFD0, s12;
	s28 =	sadd.s32 $0xFFFFFFE0, s12;
	v10 =	vadd.f32 $5.000000000e-01, v10;
	v12 =	vcvt.f32.s32 v12;
	vm4 =	vgt.s32 v14, v4  }
0x63: {  	s29 =	sadd.s32 $0xFFFFFFF0, s12;
	v61 =	vmov s5;
	v62 =	vmov s28;
	v11 =	vadd.f32 $5.000000000e-01, v11  }
0x64: {  	v63 =	vmov s29;
	v10 =	vtrunc.f32 v10;
	v8 =	vadd.f32 $5.000000000e-01, v8  }
0x65: {  	vm5 =	vgt.s32 v61, v4;
	v11 =	vtrunc.f32 v11;
	v10 =	vcvt.f32.s32 v10  }
0x66: {  	[tilespmem:v5+s25+$0x0] =	vst.idx.add.f32.msk @p1 vm0, v2;
	vm14 =	vgt.s32 v62, v4;
	v11 =	vcvt.f32.s32 v11;
	v5 =	vtrunc.f32 v8  }
0x67: {  	[tilespmem:v7+s25+$0x0] =	vst.idx.add.f32.msk @p1 vm1, v2;
	vm15 =	vgt.s32 v63, v4;
	v5 =	vcvt.f32.s32 v5  }
0x68: {  	[tilespmem:v6+s25+$0x0] =	vst.idx.add.f32.msk @p1 vm2, v2  }
0x69: {  	[tilespmem:v9+s25+$0x0] =	vst.idx.add.f32.msk @p1 vm3, v2  }
0x6a: {  	[tilespmem:v12+s25+$0x0] =	vst.idx.add.f32.msk vm4, v2  }
0x6b: {  	[tilespmem:v10+s25+$0x0] =	vst.idx.add.f32.msk vm5, v2  }
0x6c: {  	[tilespmem:v11+s25+$0x0] =	vst.idx.add.f32.msk vm14, v2  }
0x6d: {  	[tilespmem:v5+s25+$0x0] =	vst.idx.add.f32.msk vm15, v2  }
.LBB2_7:
0x6e: {  	p1 =	sgt.u32 s1, $0x7F  }
.Ltmp9:
0x6f: {  	_ = 	snop;
	(pc) =	sbr.rel @p1 .LBB2_10-.Ltmp9, $1  }
0x70: {  	_ =	sdelay $0x3  }
0x71: {  	s1 =	sshll.u32 s16, $0x4  }
0x72: {  	s5 =	sand.u32 $0xFFFFFFFC, s16;
	s12 =	sand.u32 $0x3FFFFFC0, s1;
	s28 =	sand.u32 $0xFFFFFFC0, s1  }
0x73: {  	v4 =	vmov s11;
	s1 =	sadd.s32 s5, s14;
	s5 =	sadd.s32 s12, s0;
	s12 =	sadd.s32 s28, s10  }
.LBB2_9:
0x74: {  	v5 =	vld [tilespmem:s5+$0x0];
	_ =	sdelay $0x4  }
0x75: {  	v5 =	vadd.f32 $5.000000000e-01, v5;
	_ =	sdelay $0x1  }
0x76: {  	v6 =	vor.u32 s12, v0;
	v5 =	vtrunc.f32 v5  }
0x77: {  	s1 =	sadd.s32 $0x1, s1;
	vm0 =	vgt.u32 v6, v4;
	v5 =	vcvt.f32.s32 v5  }
0x78: {  	p1 =	slt.u32 s1, $0x7F  }
.Ltmp10:
0x79: {  	_ = 	snop;
	(pc) =	sbr.rel @p1 .LBB2_9-.Ltmp10, $2  }
0x7a: {  	_ =	sdelay $0x2  }
0x7b: {  	s5 =	sadd.s32 $0x10, s5;
	s12 =	sadd.s32 $0x10, s12;
	[tilespmem:v5+s25+$0x0] =	vst.idx.add.f32.msk vm0, v2  }
.LBB2_10:
0x7c: {  	s1 =	sadd.s32 $0x40, s11  }
0x7d: {  	s1 =	smin.u32 s1, s7  }
0x7e: {  	s5 =	sshll.u32 s1, $0x4  }
0x7f: {  	s1 =	sshll.u32 s1, $0x8;
	s5 =	sand.u32 $0x70, s5  }
0x80: {  	p1 =	sgt.u32 s11, $0x7AE;
	s1 =	sand.u32 $0x7F800, s1;
	s5 =	sadd.s32 s4, s5  }
.Ltmp11:
0x81: {  	s1 =	sadd.s32 s1, s5;
	(pc) =	sbr.rel @p1 .LBB2_16-.Ltmp11, $4  }
0x82: {  	[tilespmem:s3], [sflag:$0x1] =	stream.strided.gather [hbm4b:s1+s21], $0x800, s22, s21, $0x38;
	[tilespmem:$0x3080] =	vst v63  }
0x83: {  	_ =	swait.ge [sflag:s26], $0x800  }
0x84: {  	[sflag:s26] =	ssyncset.done $0x0  }
0x85: {  	v4 =	vadd.s32 s8, v3;
	[sflag:s26] =	ssyncadd.s32 $0xFFFFF800  }
0x86: {  	s1 =	sadd.s32 $0x21, s11  }
0x87: {  	s1 =	sshrl.u32 s1, $0x4  }
0x88: {  	s1 =	sadd.s32 $0x4, s1  }
0x89: {  	v5 =	vld [tilespmem:s31+$0x10];
	p2 =	slt.u32 s1, s9  }
.Ltmp12:
0x8a: {  	_ = 	snop;
	(pc) =	sbr.rel @!p2 .LBB2_12-.Ltmp12, $4  }
0x8b: {  	_ = 	snop  }
0x8c: {  	v11 =	vld [tilespmem:s31+$0xFFFFFFF0]  }
0x8d: {  	v10 =	vld [tilespmem:s31+$0xFFFFFFE0]  }
0x8e: {  	v8 =	vld [tilespmem:s31+$0x0];
	p1 =	por $0x0, $0x0;
	v12 =	vadd.f32 $5.000000000e-01, v5  }
0x8f: {  	_ = 	snop  }
0x90: {  	v6 =	vmov s17  }
0x91: {  	s8 =	sadd.s32 $0x40, s31;
	s5 =	sadd.s32 $0xFFFFFFD0, s17;
	v5 =	vtrunc.f32 v12;
	vm0 =	vgt.s32 v6, v4  }
0x92: {  	v9 =	vld [tilespmem:s8+$0x10];
	v6 =	vmov s5;
	s5 =	sadd.s32 $0x4, s1;
	v7 =	vadd.f32 $5.000000000e-01, v10;
	v10 =	vadd.f32 $5.000000000e-01, v11  }
0x93: {  	v5 =	vcvt.f32.s32 v5;
	p2 =	slt.u32 s5, s9  }
.Ltmp13:
0x94: {  	vm1 =	vgt.s32 v6, v4;
	v10 =	vtrunc.f32 v10;
	(pc) =	sbr.rel @!p2 .LBB2_24-.Ltmp13, $4  }
0x95: {  	v8 =	vadd.f32 $5.000000000e-01, v8;
	v7 =	vtrunc.f32 v7;
	v6 =	vcvt.f32.s32 v10;
	v10 =	vld [tilespmem:s8+$0xFFFFFFE0]  }
0x96: {  	s29 =	sadd.s32 $0xFFFFFFE0, s17;
	v11 =	vld [tilespmem:s8+$0xFFFFFFF0];
	v7 =	vcvt.f32.s32 v7  }
0x97: {  	s11 =	sadd.s32 $0xFFFFFFF0, s17;
	v12 =	vadd.f32 $5.000000000e-01, v9;
	v9 =	vmov s29;
	v14 =	vtrunc.f32 v8;
	v8 =	vld [tilespmem:s8+$0x0]  }
0x98: {  	p1 =	por $0x1, $0x1;
	s1 =	sadd.s32 $0x40, s17;
	v13 =	vmov s11;
	vm2 =	vgt.s32 v9, v4;
	v9 =	vcvt.f32.s32 v14  }
.LBB2_23:
0x99: {  	s5 =	sadd.s32 $0x4, s5;
	s11 =	sadd.s32 $0xFFFFFFD0, s1;
	v14 =	vmov s1;
	v12 =	vtrunc.f32 v12;
	s8 =	sadd.s32 $0x40, s8;
	vm3 =	vgt.s32 v13, v4;
	[tilespmem:v5+s25+$0x0] =	vst.idx.add.f32.msk vm0, v2  }
0x9a: {  	v13 =	vld [tilespmem:s8+$0x10];
	p2 =	slt.u32 s5, s9;
	v10 =	vadd.f32 $5.000000000e-01, v10;
	v5 =	vcvt.f32.s32 v12;
	vm0 =	vgt.s32 v14, v4  }
0x9b: {  	v12 =	vadd.f32 $5.000000000e-01, v11;
	v11 =	vld [tilespmem:s8+$0xFFFFFFF0]  }
.Ltmp14:
0x9c: {  	v14 =	vmov s11;
	v15 =	vtrunc.f32 v10;
	v16 =	vadd.f32 $5.000000000e-01, v8;
	[tilespmem:v7+s25+$0x0] =	vst.idx.add.f32.msk vm1, v2;
	(pc) =	sbr.rel @p2 .LBB2_23-.Ltmp14, $4  }
0x9d: {  	v8 =	vtrunc.f32 v12;
	v10 =	vld [tilespmem:s8+$0xFFFFFFE0]  }
0x9e: {  	s11 =	sadd.s32 $0xFFFFFFE0, s1;
	vm1 =	vgt.s32 v14, v4;
	v7 =	vcvt.f32.s32 v15;
	[tilespmem:v6+s25+$0x0] =	vst.idx.add.f32.msk vm2, v2;
	v6 =	vcvt.f32.s32 v8  }
0x9f: {  	v14 =	vtrunc.f32 v16;
	v8 =	vld [tilespmem:s8+$0x0];
	v12 =	vadd.f32 $5.000000000e-01, v13;
	v13 =	vmov s11;
	s11 =	sadd.s32 $0xFFFFFFF0, s1;
	s1 =	sadd.s32 $0x40, s1  }
0xa0: {  	vm2 =	vgt.s32 v13, v4;
	v13 =	vmov s11;
	[tilespmem:v9+s25+$0x0] =	vst.idx.add.f32.msk vm3, v2;
	v9 =	vcvt.f32.s32 v14  }
.LBB2_24:
0xa1: {  	v14 =	vmov s1;
	v12 =	vtrunc.f32 v12;
	vm3 =	vgt.s32 @p1 v13, v4  }
0xa2: {  	s5 =	sadd.s32 $0xFFFFFFD0, s1;
	s28 =	sadd.s32 $0xFFFFFFE0, s1;
	v10 =	vadd.f32 $5.000000000e-01, v10;
	v12 =	vcvt.f32.s32 v12;
	vm4 =	vgt.s32 v14, v4  }
0xa3: {  	s29 =	sadd.s32 $0xFFFFFFF0, s1;
	v61 =	vmov s5;
	v62 =	vmov s28;
	v11 =	vadd.f32 $5.000000000e-01, v11  }
0xa4: {  	v63 =	vmov s29;
	v10 =	vtrunc.f32 v10;
	v8 =	vadd.f32 $5.000000000e-01, v8  }
0xa5: {  	vm5 =	vgt.s32 v61, v4;
	v11 =	vtrunc.f32 v11;
	v10 =	vcvt.f32.s32 v10  }
0xa6: {  	[tilespmem:v5+s25+$0x0] =	vst.idx.add.f32.msk @p1 vm0, v2;
	vm14 =	vgt.s32 v62, v4;
	v11 =	vcvt.f32.s32 v11;
	v5 =	vtrunc.f32 v8  }
0xa7: {  	[tilespmem:v7+s25+$0x0] =	vst.idx.add.f32.msk @p1 vm1, v2;
	vm15 =	vgt.s32 v63, v4;
	v5 =	vcvt.f32.s32 v5  }
0xa8: {  	[tilespmem:v6+s25+$0x0] =	vst.idx.add.f32.msk @p1 vm2, v2  }
0xa9: {  	[tilespmem:v9+s25+$0x0] =	vst.idx.add.f32.msk @p1 vm3, v2  }
0xaa: {  	[tilespmem:v12+s25+$0x0] =	vst.idx.add.f32.msk vm4, v2  }
0xab: {  	[tilespmem:v10+s25+$0x0] =	vst.idx.add.f32.msk vm5, v2  }
0xac: {  	[tilespmem:v11+s25+$0x0] =	vst.idx.add.f32.msk vm14, v2  }
0xad: {  	[tilespmem:v5+s25+$0x0] =	vst.idx.add.f32.msk vm15, v2  }
.LBB2_16:
.Ltmp15:
0xae: {  	(pc) =	sbr.rel @p0 .LBB2_19-.Ltmp15, $1  }
0xaf: {  	_ =	sdelay $0x3  }
0xb0: {  	s1 =	smov.u32 s20;
	s5 =	smov.u32 s19;
	s8 =	smov.u32 s15  }
.LBB2_18:
0xb1: {  	v5 =	vld [tilespmem:s5+$0x0];
	_ =	sdelay $0x4  }
0xb2: {  	v5 =	vadd.f32 $5.000000000e-01, v5;
	_ =	sdelay $0x1  }
0xb3: {  	v6 =	vmov s1;
	v5 =	vtrunc.f32 v5  }
0xb4: {  	vm0 =	vgt.s32 v6, v4;
	v5 =	vcvt.f32.s32 v5  }
0xb5: {  	p1 =	sne.s32 s8, $0x40  }
.Ltmp16:
0xb6: {  	_ = 	snop;
	(pc) =	sbr.rel @p1 .LBB2_18-.Ltmp16, $2  }
0xb7: {  	_ =	sdelay $0x2  }
0xb8: {  	s5 =	sadd.s32 $0x10, s5;
	s1 =	sadd.s32 $0x10, s1;
	s8 =	sadd.s32 $0xFFFFFFC0, s8;
	[tilespmem:v5+s25+$0x0] =	vst.idx.add.f32.msk vm0, v2  }
.Ltmp17:
0xb9: {  	_ = 	snop;
	(pc) =	sbr.rel .LBB2_19-.Ltmp17, $1  }
0xba: {  	_ =	sdelay $0x3  }
.LBB2_6:
.Ltmp18:
0xbb: {  	(pc) =	sbr.rel .LBB2_15-.Ltmp18, $2  }
0xbc: {  	_ =	sdelay $0x2  }
0xbd: {  	s12 =	smov.u32 s18  }
.LBB2_12:
.Ltmp19:
0xbe: {  	(pc) =	sbr.rel .LBB2_24-.Ltmp19, $2  }
0xbf: {  	_ =	sdelay $0x2  }
0xc0: {  	s1 =	smov.u32 s17  }
.LBB2_21:
0xc1: {  	_ =	sfence.sel $0x180000  }
0xc2: {  	[bflag:$0x0] =	sbarrier.arrive $0xFFFF  }
0xc3: {  	_ =	strace $0x90000047  }
0xc4: {  	s0 =	stileid.u32;
	[bflag:$0x2] =	sbarrier.arrive $0xFFFF  }
0xc5: {  	p0 =	sne.s32 s0, $0x0;
	s0 =	rddreg [dreg:$0x1]  }
0xc6: {  	s0 =	sadd.s32 @!p0 $0x100000, s0  }
0xc7: {  	[sflag:s0] =	ssyncadd.tile.s32 @!p0 $0x1;
	_ =	shalt  }
.Lfunc_end2:
_tile_overlayer_lowered:
.L_overlay_start_2:
0xc8: {  	(tag) =	ssettag $0x2  }
0xc9: {  	s0 =	rddreg [dreg:$0x0];
	s2 =	stileid.u32  }
0xca: {  	s1 =	rddreg [dreg:$0x1];
	p0 =	sne.s32 s2, $0x0  }
0xcb: {  	s3 =	rddreg [dreg:$0x2];
	[bflag:$0x3] =	sbarrier.arrive $0xFFFF;
	s2 =	simm.s32 @!p0 $0x1C03  }
0xcc: {  	[timem:s3], [sflag:s2] =	dma.local @!p0 [hbm:s0], s1  }
0xcd: {  	s0 =	simm.s32 @!p0 $0x3  }
0xce: {  	_ =	swait.ge @!p0 [sflag:s0], s1  }
0xcf: {  	s1 =	ssub.s32 @!p0 $0x0, s1;
	[sflag:s0] =	ssyncset.done @!p0 $0x0  }
0xd0: {  	[sflag:s0] =	ssyncadd.s32 @!p0 s1  }
0xd1: {  	[bflag:$0x3] =	sbarrier.arrive $0xFFFF  }
0xd2: {  	_ =	shalt  }

</sc_bundles>
